<compile_context>
chip_gen: v7x
topology: tpu7x:2x2x1
jax: 0.10.2.dev20260603
libtpu: 0.0.44.dev20260713+nightly
codegen_flags: <defaults>
</compile_context>

<pallas_src>
import functools
import jax
import jax.numpy as jnp
from jax.experimental import pallas as pl
from jax.experimental.pallas import tpu as pltpu

N = 10000
E_EDGES = 20000
NNZ = 320000
B = 128
D = 128
C = 16
CHUNK = 512
NSTEP = NNZ // CHUNK


def _deg_kernel(row_ref, col_ref, dv_ref, de_ref):
    k = pl.program_id(0)

    @pl.when(k == 0)
    def _():
        dv_ref[...] = jnp.zeros((N, 1), jnp.float32)
        de_ref[...] = jnp.zeros((E_EDGES, 1), jnp.float32)

    def body(j, carry):
        r = row_ref[j]
        c = col_ref[j]
        dv_ref[r, :] = dv_ref[r, :] + 1.0
        de_ref[c, :] = de_ref[c, :] + 1.0
        return carry

    jax.lax.fori_loop(0, CHUNK, body, 0)

    @pl.when(k == NSTEP - 1)
    def _():
        dv = dv_ref[...]
        dv_ref[...] = jnp.where(dv > 0, 1.0 / dv, 0.0)
        de = de_ref[...]
        de_ref[...] = jnp.where(de > 0, 1.0 / de, 0.0)


def _n2e_kernel(src_ref, W_ref, b_ref, row_ref, col_ref, de_inv_ref,
                em_ref, m_ref):
    k = pl.program_id(0)

    @pl.when(k == 0)
    def _():
        m_ref[...] = (jnp.dot(src_ref[...], W_ref[...],
                              preferred_element_type=jnp.float32)
                      + b_ref[...])
        em_ref[...] = jnp.zeros((E_EDGES, D), jnp.float32)

    def body(j, carry):
        r = row_ref[j]
        c = col_ref[j]
        em_ref[c, :] = em_ref[c, :] + m_ref[r, :]
        return carry

    jax.lax.fori_loop(0, CHUNK, body, 0)

    @pl.when(k == NSTEP - 1)
    def _():
        em_ref[...] = em_ref[...] * de_inv_ref[...]


def _e2n_kernel(em_ref, row_ref, col_ref, dv_inv_ref, dst_ref):
    k = pl.program_id(0)

    @pl.when(k == 0)
    def _():
        dst_ref[...] = jnp.zeros((N, D), jnp.float32)

    def body(j, carry):
        r = row_ref[j]
        c = col_ref[j]
        dst_ref[r, :] = dst_ref[r, :] + em_ref[c, :]
        return carry

    jax.lax.fori_loop(0, CHUNK, body, 0)

    @pl.when(k == NSTEP - 1)
    def _():
        dst_ref[...] = jnp.maximum(dst_ref[...] * dv_inv_ref[...], 0.0)


def _pool_kernel(h_ref, h1_ref, h2_ref, ng_ref,
                 a0w_ref, a0b_ref, a1w_ref, a1b_ref, a2w_ref, a2b_ref,
                 P0w_ref, P0b_ref, P1w_ref, P1b_ref, P2w_ref, P2b_ref,
                 out_ref, maxp_ref):
    ng = ng_ref[...]
    onehot = jnp.where(
        ng == jax.lax.broadcasted_iota(jnp.int32, (N, B), 1),
        1.0, 0.0).astype(jnp.float32)
    out_ref[...] = jnp.zeros((B, C), jnp.float32)
    layers = [(h_ref, a0w_ref, a0b_ref, False, P0w_ref, P0b_ref),
              (h1_ref, a1w_ref, a1b_ref, True, P1w_ref, P1b_ref),
              (h2_ref, a2w_ref, a2b_ref, False, P2w_ref, P2b_ref)]
    for hh_ref, aw_ref, ab_ref, use_tanh, Pw_ref, Pb_ref in layers:
        hh = hh_ref[...]
        s = (jnp.dot(hh, aw_ref[...][:, None],
                     preferred_element_type=jnp.float32) + ab_ref[0, 0])
        if use_tanh:
            s = jnp.tanh(s)
        s = jnp.exp(s - jnp.max(s))
        pooled = jax.lax.dot_general(
            onehot, s * hh, (((0,), (0,)), ((), ())),
            preferred_element_type=jnp.float32)
        rs = jax.lax.dot_general(
            onehot, s, (((0,), (0,)), ((), ())),
            preferred_element_type=jnp.float32)

        def maxp_body(g, carry):
            masked = jnp.where(ng == g, hh, -1e9)
            maxp_ref[g, :] = jnp.max(masked, axis=0)
            return carry

        jax.lax.fori_loop(0, B, maxp_body, 0)
        pooled_h = pooled / (rs + 1e-10) + maxp_ref[...]
        out_ref[...] = (out_ref[...]
                        + jnp.dot(pooled_h, Pw_ref[...],
                                  preferred_element_type=jnp.float32)
                        + Pb_ref[...][None, :])


def _smem_idx_spec():
    return pl.BlockSpec((CHUNK,), lambda k: (k,), memory_space=pltpu.SMEM)


def _full(shape):
    return pl.BlockSpec(shape, lambda k: tuple(0 for _ in shape))


def kernel(x, inc_row, inc_col, inc_val, node_graph, emb, W1, b1, W2, b2,
           a0_w, a0_b, a1_w, a1_b, a2_w, a2_b,
           P0w, P0b, P1w, P1b, P2w, P2b):
    f32 = jnp.float32
    h = emb[x]
    row = inc_row.astype(jnp.int32)
    col = inc_col.astype(jnp.int32)
    ng = node_graph.astype(jnp.int32).reshape(N, 1)

    dv_inv, de_inv = pl.pallas_call(
        _deg_kernel,
        grid=(NSTEP,),
        in_specs=[_smem_idx_spec(), _smem_idx_spec()],
        out_specs=[_full((N, 1)), _full((E_EDGES, 1))],
        out_shape=[jax.ShapeDtypeStruct((N, 1), f32),
                   jax.ShapeDtypeStruct((E_EDGES, 1), f32)],
    )(row, col)

    def conv_layer(src, W, b):
        em = pl.pallas_call(
            _n2e_kernel,
            grid=(NSTEP,),
            in_specs=[_full((N, D)), _full((D, D)), _full((1, D)),
                      _smem_idx_spec(), _smem_idx_spec(),
                      _full((E_EDGES, 1))],
            out_specs=_full((E_EDGES, D)),
            out_shape=jax.ShapeDtypeStruct((E_EDGES, D), f32),
            scratch_shapes=[pltpu.VMEM((N, D), f32)],
        )(src, W, b.reshape(1, D), row, col, de_inv)
        return pl.pallas_call(
            _e2n_kernel,
            grid=(NSTEP,),
            in_specs=[_full((E_EDGES, D)), _smem_idx_spec(),
                      _smem_idx_spec(), _full((N, 1))],
            out_specs=_full((N, D)),
            out_shape=jax.ShapeDtypeStruct((N, D), f32),
        )(em, row, col, dv_inv)

    h1 = conv_layer(h, W1, b1)
    h2 = conv_layer(h1, W2, b2)

    pred = pl.pallas_call(
        _pool_kernel,
        out_shape=jax.ShapeDtypeStruct((B, C), f32),
        scratch_shapes=[pltpu.VMEM((B, D), f32)],
    )(h, h1, h2, ng, a0_w, a0_b.reshape(1, 1), a1_w, a1_b.reshape(1, 1),
      a2_w, a2_b.reshape(1, 1), P0w, P0b, P1w, P1b, P2w, P2b)
    return pred

# --- scband reference (transcript-rebuilt; emitter-appended) ---
"""Pipeline reference for scband-hgnnmodel-23244363006023 (READ-ONLY COPY).

The authoritative reference and input builder live on the scoring server;
editing this copy changes nothing except your own understanding.
"""

import jax, jax.numpy as jnp
import numpy as np

N = 10000
E_EDGES = 20000
NNZ = 320000
B = 128
VOCAB = 30000
D_IN = 128
D_H = 128
C = 16


def setup_inputs(seed: int = 0) -> dict:
    key = jax.random.key(seed)
    ks = jax.random.split(key, 24)
    x = jax.random.randint(ks[0], (N,), 0, VOCAB)
    inc_row = jax.random.randint(ks[1], (NNZ,), 0, N)
    inc_col = jax.random.randint(ks[2], (NNZ,), 0, E_EDGES)
    inc_val = jnp.ones((NNZ,), jnp.float32)
    node_graph = jnp.sort(jax.random.randint(ks[3], (N,), 0, B))
    emb = jax.random.normal(ks[4], (VOCAB, D_IN), jnp.float32) * 0.02
    W1 = jax.random.normal(ks[5], (D_IN, D_H), jnp.float32) * 0.05
    b1 = jnp.zeros((D_H,), jnp.float32)
    W2 = jax.random.normal(ks[6], (D_H, D_H), jnp.float32) * 0.05
    b2 = jnp.zeros((D_H,), jnp.float32)
    a0_w = jax.random.normal(ks[7], (D_IN,), jnp.float32) * 0.05
    a0_b = jax.random.normal(ks[8], (), jnp.float32) * 0.05
    a1_w = jax.random.normal(ks[9], (D_H,), jnp.float32) * 0.05
    a1_b = jax.random.normal(ks[10], (), jnp.float32) * 0.05
    a2_w = jax.random.normal(ks[11], (D_H,), jnp.float32) * 0.05
    a2_b = jax.random.normal(ks[12], (), jnp.float32) * 0.05
    P0w = jax.random.normal(ks[13], (D_IN, C), jnp.float32) * 0.05
    P0b = jnp.zeros((C,), jnp.float32)
    P1w = jax.random.normal(ks[14], (D_H, C), jnp.float32) * 0.05
    P1b = jnp.zeros((C,), jnp.float32)
    P2w = jax.random.normal(ks[15], (D_H, C), jnp.float32) * 0.05
    P2b = jnp.zeros((C,), jnp.float32)
    return {"x": x, "inc_row": inc_row, "inc_col": inc_col, "inc_val": inc_val,
            "node_graph": node_graph, "emb": emb, "W1": W1, "b1": b1, "W2": W2, "b2": b2,
            "a0_w": a0_w, "a0_b": a0_b, "a1_w": a1_w, "a1_b": a1_b, "a2_w": a2_w, "a2_b": a2_b,
            "P0w": P0w, "P0b": P0b, "P1w": P1w, "P1b": P1b, "P2w": P2w, "P2b": P2b}


def reference(x, inc_row, inc_col, inc_val, node_graph, emb, W1, b1, W2, b2,
              a0_w, a0_b, a1_w, a1_b, a2_w, a2_b, P0w, P0b, P1w, P1b, P2w, P2b):
    # degree normalizers (count of incidences, reciprocal with zero guard)
    ones = jnp.ones_like(inc_val)
    dv = jax.ops.segment_sum(ones, inc_row, num_segments=N)
    dv_inv = jnp.where(dv > 0, 1.0 / dv, 0.0)
    de = jax.ops.segment_sum(ones, inc_col, num_segments=E_EDGES)
    de_inv = jnp.where(de > 0, 1.0 / de, 0.0)

    h = emb[x]  # word embedding lookup (dropout is identity in eval)

    def hgnn_layer(hh, W, b):
        m = hh @ W + b
        # node -> hyperedge aggregation: D_e^{-1} H^T m
        em = jax.ops.segment_sum(inc_val[:, None] * m[inc_row], inc_col, num_segments=E_EDGES)
        em = em * de_inv[:, None]
        # hyperedge -> node aggregation: D_v^{-1} H em
        nm = jax.ops.segment_sum(inc_val[:, None] * em[inc_col], inc_row, num_segments=N)
        nm = nm * dv_inv[:, None]
        return jax.nn.relu(nm)

    h1 = hgnn_layer(h, W1, b1)
    h2 = hgnn_layer(h1, W2, b2)
    h_cat = [h, h1, h2]
    att = [(a0_w, a0_b, False), (a1_w, a1_b, True), (a2_w, a2_b, False)]
    preds = [(P0w, P0b), (P1w, P1b), (P2w, P2b)]

    pred = jnp.zeros((B, C), jnp.float32)
    pooled_h = None
    for layer in range(3):
        hh = h_cat[layer]
        aw, ab, use_tanh = att[layer]
        s = hh @ aw + ab  # [N] attention logits (squeeze(1) equivalent)
        if use_tanh:
            s = jnp.tanh(s)
        s = s - jax.lax.stop_gradient(jnp.max(s))
        s = jnp.exp(s)
        row_sum = jax.ops.segment_sum(s, node_graph, num_segments=B)
        pooled = jax.ops.segment_sum(s[:, None] * hh, node_graph, num_segments=B)
        pooled = pooled / (row_sum[:, None] + 1e-10)
        # max pooling over nodes of each graph; empty graphs behave like -1e9 padding
        maxp = jax.ops.segment_max(hh, node_graph, num_segments=B)
        maxp = jnp.maximum(maxp, -1e9)
        pooled_h = pooled + maxp
        Pw, Pb = preds[layer]
        pred = pred + pooled_h @ Pw + Pb
    return pred

if __name__ == "__main__":
    import jax
    _d = setup_inputs()
    print(jax.jit(kernel)(*tuple(_d.values())))

</pallas_src>

<mosaic_0001>
module attributes {stable_mosaic.version = 14 : i64} {
  func.func @_n2e_kernel(%arg0: i32, %arg1: memref<10000x128xf32, #tpu.memory_space<vmem>>, %arg2: memref<128x128xf32, #tpu.memory_space<vmem>>, %arg3: memref<1x128xf32, #tpu.memory_space<vmem>>, %arg4: memref<512xi32, #tpu.memory_space<smem>>, %arg5: memref<512xi32, #tpu.memory_space<smem>>, %arg6: memref<20000x1xf32, #tpu.memory_space<vmem>>, %arg7: memref<20000x128xf32, #tpu.memory_space<vmem>>, %arg8: memref<10000x128xf32, #tpu.memory_space<vmem>>) attributes {dimension_semantics = [#tpu.dimension_semantics<arbitrary>], iteration_bounds = array<i64: 625>, scalar_prefetch = 0 : i64, scratch_operands = 1 : i64, tpu.core_type = #tpu.core_type<tc>, window_params = [{pipeline_mode = #tpu.pipeline_mode<synchronous>, transform_indices = @transform_0, window_bounds = array<i64: 10000, 128>}, {pipeline_mode = #tpu.pipeline_mode<synchronous>, transform_indices = @transform_1, window_bounds = array<i64: 128, 128>}, {pipeline_mode = #tpu.pipeline_mode<synchronous>, transform_indices = @transform_2, window_bounds = array<i64: 1, 128>}, {transform_indices = @transform_3, window_bounds = array<i64: 512>}, {transform_indices = @transform_4, window_bounds = array<i64: 512>}, {pipeline_mode = #tpu.pipeline_mode<synchronous>, transform_indices = @transform_5, window_bounds = array<i64: 20000, 1>}, {pipeline_mode = #tpu.pipeline_mode<synchronous>, transform_indices = @transform_6, window_bounds = array<i64: 20000, 128>}]} {
    %eq3A = arith.constant 0 : i32
    %eq3A_0 = arith.cmpi eq, %arg0, %eq3A : i32
    %convert_element_type3A = arith.extui %eq3A_0 : i1 to i32
    %cond3A = arith.constant 0 : i32
    %cond3A_1 = arith.cmpi ne, %convert_element_type3A, %cond3A : i32
    scf.if %cond3A_1 {
      %get3A = arith.constant 0 : index
      %get3A_11 = arith.constant 0 : index
      %get3A_12 = vector.load %arg1[%get3A, %get3A_11] : memref<10000x128xf32, #tpu.memory_space<vmem>>, vector<10000x128xf32>
      %get3A_13 = arith.constant 0 : index
      %get3A_14 = arith.constant 0 : index
      %get3A_15 = vector.load %arg2[%get3A_13, %get3A_14] : memref<128x128xf32, #tpu.memory_space<vmem>>, vector<128x128xf32>
      %dot_general3A = arith.constant dense<0.000000e+00> : vector<10000x128xf32>
      %dot_general3A_16 = tpu.matmul %get3A_12, %get3A_15, %dot_general3A {dimension_numbers = #tpu.dot_dimension_numbers<[1], [0], [0], [1], [0, 0, 1, 1], [], []>, transpose_lhs_hint = false} : vector<10000x128xf32>, vector<128x128xf32>, vector<10000x128xf32> -> vector<10000x128xf32>
      %get3A_17 = arith.constant 0 : index
      %get3A_18 = arith.constant 0 : index
      %get3A_19 = vector.load %arg3[%get3A_17, %get3A_18] : memref<1x128xf32, #tpu.memory_space<vmem>>, vector<1x128xf32>
      %add3A = vector.broadcast %get3A_19 : vector<1x128xf32> to vector<10000x128xf32>
      %add3A_20 = arith.addf %dot_general3A_16, %add3A : vector<10000x128xf32>
      %swap3A = arith.constant 0 : index
      %swap3A_21 = arith.constant 0 : index
      %swap3A_22 = vector.load %arg8[%swap3A, %swap3A_21] : memref<10000x128xf32, #tpu.memory_space<vmem>>, vector<10000x128xf32>
      tpu.vector_store %arg8[%swap3A, %swap3A_21], %add3A_20 {strides = array<i32>} : memref<10000x128xf32, #tpu.memory_space<vmem>>, vector<10000x128xf32>,
      %broadcast_in_dim3A = arith.constant 0.000000e+00 : f32
      %broadcast_in_dim3A_23 = vector.broadcast %broadcast_in_dim3A : f32 to vector<20000x128xf32>
      %swap3A_24 = arith.constant 0 : index
      %swap3A_25 = arith.constant 0 : index
      %swap3A_26 = vector.load %arg7[%swap3A_24, %swap3A_25] : memref<20000x128xf32, #tpu.memory_space<vmem>>, vector<20000x128xf32>
      tpu.vector_store %arg7[%swap3A_24, %swap3A_25], %broadcast_in_dim3A_23 {strides = array<i32>} : memref<20000x128xf32, #tpu.memory_space<vmem>>, vector<20000x128xf32>,
    } else {
    }
    %scan3A = arith.constant 0 : i32
    %scan3A_2 = arith.constant 512 : i32
    %scan3A_3 = arith.addi %scan3A, %scan3A_2 : i32
    %scan3A_4 = arith.constant 1 : i32
    scf.for %scan3A_11 = %scan3A to %scan3A_3 step %scan3A_4  : i32 {
      %get3A = arith.index_cast %scan3A_11 : i32 to index
      %get3A_12 = memref.load %arg4[%get3A] : memref<512xi32, #tpu.memory_space<smem>>
      %get3A_13 = arith.index_cast %scan3A_11 : i32 to index
      %get3A_14 = memref.load %arg5[%get3A_13] : memref<512xi32, #tpu.memory_space<smem>>
      %get3A_15 = arith.index_cast %get3A_14 : i32 to index
      %get3A_16 = arith.constant 0 : index
      %get3A_17 = vector.load %arg7[%get3A_15, %get3A_16] : memref<20000x128xf32, #tpu.memory_space<vmem>>, vector<1x128xf32>
      %get3A_18 = vector.shape_cast %get3A_17 : vector<1x128xf32> to vector<128xf32>
      %get3A_19 = arith.index_cast %get3A_12 : i32 to index
      %get3A_20 = arith.constant 0 : index
      %get3A_21 = vector.load %arg8[%get3A_19, %get3A_20] : memref<10000x128xf32, #tpu.memory_space<vmem>>, vector<1x128xf32>
      %get3A_22 = vector.shape_cast %get3A_21 : vector<1x128xf32> to vector<128xf32>
      %add3A = arith.addf %get3A_18, %get3A_22 : vector<128xf32>
      %swap3A = arith.index_cast %get3A_14 : i32 to index
      %swap3A_23 = arith.constant 0 : index
      %swap3A_24 = vector.load %arg7[%swap3A, %swap3A_23] : memref<20000x128xf32, #tpu.memory_space<vmem>>, vector<1x128xf32>
      %swap3A_25 = vector.shape_cast %swap3A_24 : vector<1x128xf32> to vector<128xf32>
      %swap3A_26 = vector.shape_cast %add3A : vector<128xf32> to vector<1x128xf32>
      tpu.vector_store %arg7[%swap3A, %swap3A_23], %swap3A_26 {strides = array<i32>} : memref<20000x128xf32, #tpu.memory_space<vmem>>, vector<1x128xf32>,
    }
    %scan3A_5 = arith.constant 512 : i32
    %eq3A_6 = arith.constant 624 : i32
    %eq3A_7 = arith.cmpi eq, %arg0, %eq3A_6 : i32
    %convert_element_type3A_8 = arith.extui %eq3A_7 : i1 to i32
    %cond3A_9 = arith.constant 0 : i32
    %cond3A_10 = arith.cmpi ne, %convert_element_type3A_8, %cond3A_9 : i32
    scf.if %cond3A_10 {
      %get3A = arith.constant 0 : index
      %get3A_11 = arith.constant 0 : index
      %get3A_12 = vector.load %arg7[%get3A, %get3A_11] : memref<20000x128xf32, #tpu.memory_space<vmem>>, vector<20000x128xf32>
      %get3A_13 = arith.constant 0 : index
      %get3A_14 = arith.constant 0 : index
      %get3A_15 = vector.load %arg6[%get3A_13, %get3A_14] : memref<20000x1xf32, #tpu.memory_space<vmem>>, vector<20000x1xf32>
      %mul3A = vector.broadcast %get3A_15 : vector<20000x1xf32> to vector<20000x128xf32>
      %mul3A_16 = arith.mulf %get3A_12, %mul3A : vector<20000x128xf32>
      %swap3A = arith.constant 0 : index
      %swap3A_17 = arith.constant 0 : index
      %swap3A_18 = vector.load %arg7[%swap3A, %swap3A_17] : memref<20000x128xf32, #tpu.memory_space<vmem>>, vector<20000x128xf32>
      tpu.vector_store %arg7[%swap3A, %swap3A_17], %mul3A_16 {strides = array<i32>} : memref<20000x128xf32, #tpu.memory_space<vmem>>, vector<20000x128xf32>,
    } else {
    }
    return
  }
  func.func @transform_0(%arg0: i32) -> (i32, i32) {
    %c0_i32 = arith.constant 0 : i32
    %c0_i32_0 = arith.constant 0 : i32
    %c0_i32_1 = arith.constant 0 : i32
    return %c0_i32, %c0_i32_0 : i32, i32
  }
  func.func @transform_1(%arg0: i32) -> (i32, i32) {
    %c0_i32 = arith.constant 0 : i32
    %c0_i32_0 = arith.constant 0 : i32
    %c0_i32_1 = arith.constant 0 : i32
    return %c0_i32, %c0_i32_0 : i32, i32
  }
  func.func @transform_2(%arg0: i32) -> (i32, i32) {
    %c0_i32 = arith.constant 0 : i32
    %c0_i32_0 = arith.constant 0 : i32
    %c0_i32_1 = arith.constant 0 : i32
    return %c0_i32, %c0_i32_0 : i32, i32
  }
  func.func @transform_3(%arg0: i32) -> i32 {
    %c0_i32 = arith.constant 0 : i32
    return %arg0 : i32
  }
  func.func @transform_4(%arg0: i32) -> i32 {
    %c0_i32 = arith.constant 0 : i32
    return %arg0 : i32
  }
  func.func @transform_5(%arg0: i32) -> (i32, i32) {
    %c0_i32 = arith.constant 0 : i32
    %c0_i32_0 = arith.constant 0 : i32
    %c0_i32_1 = arith.constant 0 : i32
    return %c0_i32, %c0_i32_0 : i32, i32
  }
  func.func @transform_6(%arg0: i32) -> (i32, i32) {
    %c0_i32 = arith.constant 0 : i32
    %c0_i32_0 = arith.constant 0 : i32
    %c0_i32_1 = arith.constant 0 : i32
    return %c0_i32, %c0_i32_0 : i32, i32
  }
}

module attributes {stable_mosaic.version = 14 : i64} {
  func.func @_deg_kernel(%arg0: i32, %arg1: memref<512xi32, #tpu.memory_space<smem>>, %arg2: memref<512xi32, #tpu.memory_space<smem>>, %arg3: memref<10000x1xf32, #tpu.memory_space<vmem>>, %arg4: memref<20000x1xf32, #tpu.memory_space<vmem>>) attributes {dimension_semantics = [#tpu.dimension_semantics<arbitrary>], iteration_bounds = array<i64: 625>, scalar_prefetch = 0 : i64, scratch_operands = 0 : i64, tpu.core_type = #tpu.core_type<tc>, window_params = [{transform_indices = @transform_0, window_bounds = array<i64: 512>}, {transform_indices = @transform_1, window_bounds = array<i64: 512>}, {pipeline_mode = #tpu.pipeline_mode<synchronous>, transform_indices = @transform_2, window_bounds = array<i64: 10000, 1>}, {pipeline_mode = #tpu.pipeline_mode<synchronous>, transform_indices = @transform_3, window_bounds = array<i64: 20000, 1>}]} {
    %eq3A = arith.constant 0 : i32
    %eq3A_0 = arith.cmpi eq, %arg0, %eq3A : i32
    %convert_element_type3A = arith.extui %eq3A_0 : i1 to i32
    %cond3A = arith.constant 0 : i32
    %cond3A_1 = arith.cmpi ne, %convert_element_type3A, %cond3A : i32
    scf.if %cond3A_1 {
      %broadcast_in_dim3A = arith.constant 0.000000e+00 : f32
      %broadcast_in_dim3A_11 = vector.broadcast %broadcast_in_dim3A : f32 to vector<10000x1xf32>
      %swap3A = arith.constant 0 : index
      %swap3A_12 = arith.constant 0 : index
      %swap3A_13 = vector.load %arg3[%swap3A, %swap3A_12] : memref<10000x1xf32, #tpu.memory_space<vmem>>, vector<10000x1xf32>
      tpu.vector_store %arg3[%swap3A, %swap3A_12], %broadcast_in_dim3A_11 {strides = array<i32>} : memref<10000x1xf32, #tpu.memory_space<vmem>>, vector<10000x1xf32>,
      %broadcast_in_dim3A_14 = arith.constant 0.000000e+00 : f32
      %broadcast_in_dim3A_15 = vector.broadcast %broadcast_in_dim3A_14 : f32 to vector<20000x1xf32>
      %swap3A_16 = arith.constant 0 : index
      %swap3A_17 = arith.constant 0 : index
      %swap3A_18 = vector.load %arg4[%swap3A_16, %swap3A_17] : memref<20000x1xf32, #tpu.memory_space<vmem>>, vector<20000x1xf32>
      tpu.vector_store %arg4[%swap3A_16, %swap3A_17], %broadcast_in_dim3A_15 {strides = array<i32>} : memref<20000x1xf32, #tpu.memory_space<vmem>>, vector<20000x1xf32>,
    } else {
    }
    %scan3A = arith.constant 0 : i32
    %scan3A_2 = arith.constant 512 : i32
    %scan3A_3 = arith.addi %scan3A, %scan3A_2 : i32
    %scan3A_4 = arith.constant 1 : i32
    scf.for %scan3A_11 = %scan3A to %scan3A_3 step %scan3A_4  : i32 {
      %get3A = arith.index_cast %scan3A_11 : i32 to index
      %get3A_12 = memref.load %arg1[%get3A] : memref<512xi32, #tpu.memory_space<smem>>
      %get3A_13 = arith.index_cast %scan3A_11 : i32 to index
      %get3A_14 = memref.load %arg2[%get3A_13] : memref<512xi32, #tpu.memory_space<smem>>
      %get3A_15 = arith.index_cast %get3A_12 : i32 to index
      %get3A_16 = arith.constant 0 : index
      %get3A_17 = vector.load %arg3[%get3A_15, %get3A_16] : memref<10000x1xf32, #tpu.memory_space<vmem>>, vector<1x1xf32>
      %get3A_18 = vector.shape_cast %get3A_17 : vector<1x1xf32> to vector<1xf32>
      %add3A = arith.constant 1.000000e+00 : f32
      %add3A_19 = vector.broadcast %add3A : f32 to vector<1xf32>
      %add3A_20 = arith.addf %get3A_18, %add3A_19 : vector<1xf32>
      %swap3A = arith.index_cast %get3A_12 : i32 to index
      %swap3A_21 = arith.constant 0 : index
      %swap3A_22 = vector.load %arg3[%swap3A, %swap3A_21] : memref<10000x1xf32, #tpu.memory_space<vmem>>, vector<1x1xf32>
      %swap3A_23 = vector.shape_cast %swap3A_22 : vector<1x1xf32> to vector<1xf32>
      %swap3A_24 = vector.shape_cast %add3A_20 : vector<1xf32> to vector<1x1xf32>
      tpu.vector_store %arg3[%swap3A, %swap3A_21], %swap3A_24 {strides = array<i32>} : memref<10000x1xf32, #tpu.memory_space<vmem>>, vector<1x1xf32>,
      %get3A_25 = arith.index_cast %get3A_14 : i32 to index
      %get3A_26 = arith.constant 0 : index
      %get3A_27 = vector.load %arg4[%get3A_25, %get3A_26] : memref<20000x1xf32, #tpu.memory_space<vmem>>, vector<1x1xf32>
      %get3A_28 = vector.shape_cast %get3A_27 : vector<1x1xf32> to vector<1xf32>
      %add3A_29 = arith.constant 1.000000e+00 : f32
      %add3A_30 = vector.broadcast %add3A_29 : f32 to vector<1xf32>
      %add3A_31 = arith.addf %get3A_28, %add3A_30 : vector<1xf32>
      %swap3A_32 = arith.index_cast %get3A_14 : i32 to index
      %swap3A_33 = arith.constant 0 : index
      %swap3A_34 = vector.load %arg4[%swap3A_32, %swap3A_33] : memref<20000x1xf32, #tpu.memory_space<vmem>>, vector<1x1xf32>
      %swap3A_35 = vector.shape_cast %swap3A_34 : vector<1x1xf32> to vector<1xf32>
      %swap3A_36 = vector.shape_cast %add3A_31 : vector<1xf32> to vector<1x1xf32>
      tpu.vector_store %arg4[%swap3A_32, %swap3A_33], %swap3A_36 {strides = array<i32>} : memref<20000x1xf32, #tpu.memory_space<vmem>>, vector<1x1xf32>,
    }
    %scan3A_5 = arith.constant 512 : i32
    %eq3A_6 = arith.constant 624 : i32
    %eq3A_7 = arith.cmpi eq, %arg0, %eq3A_6 : i32
    %convert_element_type3A_8 = arith.extui %eq3A_7 : i1 to i32
    %cond3A_9 = arith.constant 0 : i32
    %cond3A_10 = arith.cmpi ne, %convert_element_type3A_8, %cond3A_9 : i32
    scf.if %cond3A_10 {
      %get3A = arith.constant 0 : index
      %get3A_11 = arith.constant 0 : index
      %get3A_12 = vector.load %arg3[%get3A, %get3A_11] : memref<10000x1xf32, #tpu.memory_space<vmem>>, vector<10000x1xf32>
      %gt3A = arith.constant 0.000000e+00 : f32
      %gt3A_13 = vector.broadcast %gt3A : f32 to vector<10000x1xf32>
      %gt3A_14 = arith.cmpf ogt, %get3A_12, %gt3A_13 : vector<10000x1xf32>
      %div3A = arith.constant 1.000000e+00 : f32
      %div3A_15 = vector.broadcast %div3A : f32 to vector<10000x1xf32>
      %div3A_16 = arith.divf %div3A_15, %get3A_12 : vector<10000x1xf32>
      %jit3A = arith.constant 0.000000e+00 : f32
      %broadcast_in_dim3A = vector.broadcast %jit3A : f32 to vector<10000x1xf32>
      %select_n3A = arith.select %gt3A_14, %div3A_16, %broadcast_in_dim3A : vector<10000x1xi1>, vector<10000x1xf32>
      %swap3A = arith.constant 0 : index
      %swap3A_17 = arith.constant 0 : index
      %swap3A_18 = vector.load %arg3[%swap3A, %swap3A_17] : memref<10000x1xf32, #tpu.memory_space<vmem>>, vector<10000x1xf32>
      tpu.vector_store %arg3[%swap3A, %swap3A_17], %select_n3A {strides = array<i32>} : memref<10000x1xf32, #tpu.memory_space<vmem>>, vector<10000x1xf32>,
      %get3A_19 = arith.constant 0 : index
      %get3A_20 = arith.constant 0 : index
      %get3A_21 = vector.load %arg4[%get3A_19, %get3A_20] : memref<20000x1xf32, #tpu.memory_space<vmem>>, vector<20000x1xf32>
      %gt3A_22 = arith.constant 0.000000e+00 : f32
      %gt3A_23 = vector.broadcast %gt3A_22 : f32 to vector<20000x1xf32>
      %gt3A_24 = arith.cmpf ogt, %get3A_21, %gt3A_23 : vector<20000x1xf32>
      %div3A_25 = arith.constant 1.000000e+00 : f32
      %div3A_26 = vector.broadcast %div3A_25 : f32 to vector<20000x1xf32>
      %div3A_27 = arith.divf %div3A_26, %get3A_21 : vector<20000x1xf32>
      %jit3A_28 = arith.constant 0.000000e+00 : f32
      %broadcast_in_dim3A_29 = vector.broadcast %jit3A_28 : f32 to vector<20000x1xf32>
      %select_n3A_30 = arith.select %gt3A_24, %div3A_27, %broadcast_in_dim3A_29 : vector<20000x1xi1>, vector<20000x1xf32>
      %swap3A_31 = arith.constant 0 : index
      %swap3A_32 = arith.constant 0 : index
      %swap3A_33 = vector.load %arg4[%swap3A_31, %swap3A_32] : memref<20000x1xf32, #tpu.memory_space<vmem>>, vector<20000x1xf32>
      tpu.vector_store %arg4[%swap3A_31, %swap3A_32], %select_n3A_30 {strides = array<i32>} : memref<20000x1xf32, #tpu.memory_space<vmem>>, vector<20000x1xf32>,
    } else {
    }
    return
  }
  func.func @transform_0(%arg0: i32) -> i32 {
    %c0_i32 = arith.constant 0 : i32
    return %arg0 : i32
  }
  func.func @transform_1(%arg0: i32) -> i32 {
    %c0_i32 = arith.constant 0 : i32
    return %arg0 : i32
  }
  func.func @transform_2(%arg0: i32) -> (i32, i32) {
    %c0_i32 = arith.constant 0 : i32
    %c0_i32_0 = arith.constant 0 : i32
    %c0_i32_1 = arith.constant 0 : i32
    return %c0_i32, %c0_i32_0 : i32, i32
  }
  func.func @transform_3(%arg0: i32) -> (i32, i32) {
    %c0_i32 = arith.constant 0 : i32
    %c0_i32_0 = arith.constant 0 : i32
    %c0_i32_1 = arith.constant 0 : i32
    return %c0_i32, %c0_i32_0 : i32, i32
  }
}

module attributes {stable_mosaic.version = 14 : i64} {
  func.func @_e2n_kernel(%arg0: i32, %arg1: memref<20000x128xf32, #tpu.memory_space<vmem>>, %arg2: memref<512xi32, #tpu.memory_space<smem>>, %arg3: memref<512xi32, #tpu.memory_space<smem>>, %arg4: memref<10000x1xf32, #tpu.memory_space<vmem>>, %arg5: memref<10000x128xf32, #tpu.memory_space<vmem>>) attributes {dimension_semantics = [#tpu.dimension_semantics<arbitrary>], iteration_bounds = array<i64: 625>, scalar_prefetch = 0 : i64, scratch_operands = 0 : i64, tpu.core_type = #tpu.core_type<tc>, window_params = [{pipeline_mode = #tpu.pipeline_mode<synchronous>, transform_indices = @transform_0, window_bounds = array<i64: 20000, 128>}, {transform_indices = @transform_1, window_bounds = array<i64: 512>}, {transform_indices = @transform_2, window_bounds = array<i64: 512>}, {pipeline_mode = #tpu.pipeline_mode<synchronous>, transform_indices = @transform_3, window_bounds = array<i64: 10000, 1>}, {pipeline_mode = #tpu.pipeline_mode<synchronous>, transform_indices = @transform_4, window_bounds = array<i64: 10000, 128>}]} {
    %eq3A = arith.constant 0 : i32
    %eq3A_0 = arith.cmpi eq, %arg0, %eq3A : i32
    %convert_element_type3A = arith.extui %eq3A_0 : i1 to i32
    %cond3A = arith.constant 0 : i32
    %cond3A_1 = arith.cmpi ne, %convert_element_type3A, %cond3A : i32
    scf.if %cond3A_1 {
      %broadcast_in_dim3A = arith.constant 0.000000e+00 : f32
      %broadcast_in_dim3A_11 = vector.broadcast %broadcast_in_dim3A : f32 to vector<10000x128xf32>
      %swap3A = arith.constant 0 : index
      %swap3A_12 = arith.constant 0 : index
      %swap3A_13 = vector.load %arg5[%swap3A, %swap3A_12] : memref<10000x128xf32, #tpu.memory_space<vmem>>, vector<10000x128xf32>
      tpu.vector_store %arg5[%swap3A, %swap3A_12], %broadcast_in_dim3A_11 {strides = array<i32>} : memref<10000x128xf32, #tpu.memory_space<vmem>>, vector<10000x128xf32>,
    } else {
    }
    %scan3A = arith.constant 0 : i32
    %scan3A_2 = arith.constant 512 : i32
    %scan3A_3 = arith.addi %scan3A, %scan3A_2 : i32
    %scan3A_4 = arith.constant 1 : i32
    scf.for %scan3A_11 = %scan3A to %scan3A_3 step %scan3A_4  : i32 {
      %get3A = arith.index_cast %scan3A_11 : i32 to index
      %get3A_12 = memref.load %arg2[%get3A] : memref<512xi32, #tpu.memory_space<smem>>
      %get3A_13 = arith.index_cast %scan3A_11 : i32 to index
      %get3A_14 = memref.load %arg3[%get3A_13] : memref<512xi32, #tpu.memory_space<smem>>
      %get3A_15 = arith.index_cast %get3A_12 : i32 to index
      %get3A_16 = arith.constant 0 : index
      %get3A_17 = vector.load %arg5[%get3A_15, %get3A_16] : memref<10000x128xf32, #tpu.memory_space<vmem>>, vector<1x128xf32>
      %get3A_18 = vector.shape_cast %get3A_17 : vector<1x128xf32> to vector<128xf32>
      %get3A_19 = arith.index_cast %get3A_14 : i32 to index
      %get3A_20 = arith.constant 0 : index
      %get3A_21 = vector.load %arg1[%get3A_19, %get3A_20] : memref<20000x128xf32, #tpu.memory_space<vmem>>, vector<1x128xf32>
      %get3A_22 = vector.shape_cast %get3A_21 : vector<1x128xf32> to vector<128xf32>
      %add3A = arith.addf %get3A_18, %get3A_22 : vector<128xf32>
      %swap3A = arith.index_cast %get3A_12 : i32 to index
      %swap3A_23 = arith.constant 0 : index
      %swap3A_24 = vector.load %arg5[%swap3A, %swap3A_23] : memref<10000x128xf32, #tpu.memory_space<vmem>>, vector<1x128xf32>
      %swap3A_25 = vector.shape_cast %swap3A_24 : vector<1x128xf32> to vector<128xf32>
      %swap3A_26 = vector.shape_cast %add3A : vector<128xf32> to vector<1x128xf32>
      tpu.vector_store %arg5[%swap3A, %swap3A_23], %swap3A_26 {strides = array<i32>} : memref<10000x128xf32, #tpu.memory_space<vmem>>, vector<1x128xf32>,
    }
    %scan3A_5 = arith.constant 512 : i32
    %eq3A_6 = arith.constant 624 : i32
    %eq3A_7 = arith.cmpi eq, %arg0, %eq3A_6 : i32
    %convert_element_type3A_8 = arith.extui %eq3A_7 : i1 to i32
    %cond3A_9 = arith.constant 0 : i32
    %cond3A_10 = arith.cmpi ne, %convert_element_type3A_8, %cond3A_9 : i32
    scf.if %cond3A_10 {
      %get3A = arith.constant 0 : index
      %get3A_11 = arith.constant 0 : index
      %get3A_12 = vector.load %arg5[%get3A, %get3A_11] : memref<10000x128xf32, #tpu.memory_space<vmem>>, vector<10000x128xf32>
      %get3A_13 = arith.constant 0 : index
      %get3A_14 = arith.constant 0 : index
      %get3A_15 = vector.load %arg4[%get3A_13, %get3A_14] : memref<10000x1xf32, #tpu.memory_space<vmem>>, vector<10000x1xf32>
      %mul3A = vector.broadcast %get3A_15 : vector<10000x1xf32> to vector<10000x128xf32>
      %mul3A_16 = arith.mulf %get3A_12, %mul3A : vector<10000x128xf32>
      %max3A = arith.constant 0.000000e+00 : f32
      %max3A_17 = vector.broadcast %max3A : f32 to vector<10000x128xf32>
      %max3A_18 = arith.maximumf %mul3A_16, %max3A_17 : vector<10000x128xf32>
      %swap3A = arith.constant 0 : index
      %swap3A_19 = arith.constant 0 : index
      %swap3A_20 = vector.load %arg5[%swap3A, %swap3A_19] : memref<10000x128xf32, #tpu.memory_space<vmem>>, vector<10000x128xf32>
      tpu.vector_store %arg5[%swap3A, %swap3A_19], %max3A_18 {strides = array<i32>} : memref<10000x128xf32, #tpu.memory_space<vmem>>, vector<10000x128xf32>,
    } else {
    }
    return
  }
  func.func @transform_0(%arg0: i32) -> (i32, i32) {
    %c0_i32 = arith.constant 0 : i32
    %c0_i32_0 = arith.constant 0 : i32
    %c0_i32_1 = arith.constant 0 : i32
    return %c0_i32, %c0_i32_0 : i32, i32
  }
  func.func @transform_1(%arg0: i32) -> i32 {
    %c0_i32 = arith.constant 0 : i32
    return %arg0 : i32
  }
  func.func @transform_2(%arg0: i32) -> i32 {
    %c0_i32 = arith.constant 0 : i32
    return %arg0 : i32
  }
  func.func @transform_3(%arg0: i32) -> (i32, i32) {
    %c0_i32 = arith.constant 0 : i32
    %c0_i32_0 = arith.constant 0 : i32
    %c0_i32_1 = arith.constant 0 : i32
    return %c0_i32, %c0_i32_0 : i32, i32
  }
  func.func @transform_4(%arg0: i32) -> (i32, i32) {
    %c0_i32 = arith.constant 0 : i32
    %c0_i32_0 = arith.constant 0 : i32
    %c0_i32_1 = arith.constant 0 : i32
    return %c0_i32, %c0_i32_0 : i32, i32
  }
}

module attributes {stable_mosaic.version = 14 : i64} {
  func.func @_pool_kernel(%arg0: memref<10000x128xf32, #tpu.memory_space<vmem>>, %arg1: memref<10000x128xf32, #tpu.memory_space<vmem>>, %arg2: memref<10000x128xf32, #tpu.memory_space<vmem>>, %arg3: memref<10000x1xi32, #tpu.memory_space<vmem>>, %arg4: memref<128xf32, #tpu.memory_space<vmem>>, %arg5: memref<1x1xf32, #tpu.memory_space<vmem>>, %arg6: memref<128xf32, #tpu.memory_space<vmem>>, %arg7: memref<1x1xf32, #tpu.memory_space<vmem>>, %arg8: memref<128xf32, #tpu.memory_space<vmem>>, %arg9: memref<1x1xf32, #tpu.memory_space<vmem>>, %arg10: memref<128x16xf32, #tpu.memory_space<vmem>>, %arg11: memref<16xf32, #tpu.memory_space<vmem>>, %arg12: memref<128x16xf32, #tpu.memory_space<vmem>>, %arg13: memref<16xf32, #tpu.memory_space<vmem>>, %arg14: memref<128x16xf32, #tpu.memory_space<vmem>>, %arg15: memref<16xf32, #tpu.memory_space<vmem>>, %arg16: memref<128x16xf32, #tpu.memory_space<vmem>>, %arg17: memref<128x128xf32, #tpu.memory_space<vmem>>) attributes {dimension_semantics = [], scalar_prefetch = 0 : i64, scratch_operands = 1 : i64, tpu.core_type = #tpu.core_type<tc>} {
    %get3A = arith.constant 0 : index
    %get3A_0 = arith.constant 0 : index
    %get3A_1 = vector.load %arg3[%get3A, %get3A_0] : memref<10000x1xi32, #tpu.memory_space<vmem>>, vector<10000x1xi32>
    %iota3A = tpu.iota {dimensions = array<i32: 1>} : vector<10000x128xi32>
    %eq3A = vector.broadcast %get3A_1 : vector<10000x1xi32> to vector<10000x128xi32>
    %eq3A_2 = arith.cmpi eq, %eq3A, %iota3A : vector<10000x128xi32>
    %jit3A = arith.constant 1.000000e+00 : f32
    %jit3A_3 = arith.constant 0.000000e+00 : f32
    %broadcast_in_dim3A = vector.broadcast %jit3A : f32 to vector<10000x128xf32>
    %broadcast_in_dim3A_4 = vector.broadcast %jit3A_3 : f32 to vector<10000x128xf32>
    %select_n3A = arith.select %eq3A_2, %broadcast_in_dim3A, %broadcast_in_dim3A_4 : vector<10000x128xi1>, vector<10000x128xf32>
    %broadcast_in_dim3A_5 = arith.constant 0.000000e+00 : f32
    %broadcast_in_dim3A_6 = vector.broadcast %broadcast_in_dim3A_5 : f32 to vector<128x16xf32>
    %swap3A = arith.constant 0 : index
    %swap3A_7 = arith.constant 0 : index
    %swap3A_8 = vector.load %arg16[%swap3A, %swap3A_7] : memref<128x16xf32, #tpu.memory_space<vmem>>, vector<128x16xf32>
    tpu.vector_store %arg16[%swap3A, %swap3A_7], %broadcast_in_dim3A_6 {strides = array<i32>} : memref<128x16xf32, #tpu.memory_space<vmem>>, vector<128x16xf32>,
    %get3A_9 = arith.constant 0 : index
    %get3A_10 = arith.constant 0 : index
    %get3A_11 = vector.load %arg0[%get3A_9, %get3A_10] : memref<10000x128xf32, #tpu.memory_space<vmem>>, vector<10000x128xf32>
    %get3A_12 = arith.constant 0 : index
    %get3A_13 = vector.load %arg4[%get3A_12] : memref<128xf32, #tpu.memory_space<vmem>>, vector<128xf32>
    %broadcast_in_dim3A_14 = vector.shape_cast %get3A_13 : vector<128xf32> to vector<128x1xf32>
    %dot_general3A = arith.constant dense<0.000000e+00> : vector<10000x1xf32>
    %dot_general3A_15 = tpu.matmul %get3A_11, %broadcast_in_dim3A_14, %dot_general3A {dimension_numbers = #tpu.dot_dimension_numbers<[1], [0], [0], [1], [0, 0, 1, 1], [], []>, transpose_lhs_hint = false} : vector<10000x128xf32>, vector<128x1xf32>, vector<10000x1xf32> -> vector<10000x1xf32>
    %get3A_16 = arith.constant 0 : index
    %get3A_17 = arith.constant 0 : index
    %get3A_18 = vector.load %arg5[%get3A_16, %get3A_17] : memref<1x1xf32, #tpu.memory_space<vmem>>, vector<1x1xf32>
    %get3A_19 = vector.extract %get3A_18[0, 0] : f32 from vector<1x1xf32>
    %add3A = vector.broadcast %get3A_19 : f32 to vector<10000x1xf32>
    %add3A_20 = arith.addf %dot_general3A_15, %add3A : vector<10000x1xf32>
    %reduce_max3A = vector.shape_cast %add3A_20 : vector<10000x1xf32> to vector<1x10000x1xf32>
    %reduce_max3A_21 = arith.constant dense<0xFF800000> : vector<1xf32>
    %reduce_max3A_22 = vector.multi_reduction <maximumf>, %reduce_max3A, %reduce_max3A_21 [1, 2] : vector<1x10000x1xf32> to vector<1xf32>
    %reduce_max3A_23 = vector.shape_cast %reduce_max3A_22 : vector<1xf32> to vector<1x1x1xf32>
    %reduce_max3A_24 = vector.extract %reduce_max3A_23[0, 0, 0] : f32 from vector<1x1x1xf32>
    %sub3A = vector.broadcast %reduce_max3A_24 : f32 to vector<10000x1xf32>
    %sub3A_25 = arith.subf %add3A_20, %sub3A : vector<10000x1xf32>
    %exp3A = math.exp %sub3A_25 : vector<10000x1xf32>
    %mul3A = vector.broadcast %exp3A : vector<10000x1xf32> to vector<10000x128xf32>
    %mul3A_26 = arith.mulf %mul3A, %get3A_11 : vector<10000x128xf32>
    %dot_general3A_27 = arith.constant dense<0.000000e+00> : vector<128x128xf32>
    %dot_general3A_28 = tpu.matmul %select_n3A, %mul3A_26, %dot_general3A_27 {dimension_numbers = #tpu.dot_dimension_numbers<[0], [0], [1], [1], [0, 1, 1, 1], [], []>, transpose_lhs_hint = false} : vector<10000x128xf32>, vector<10000x128xf32>, vector<128x128xf32> -> vector<128x128xf32>
    %dot_general3A_29 = arith.constant dense<0.000000e+00> : vector<128x1xf32>
    %dot_general3A_30 = tpu.matmul %select_n3A, %exp3A, %dot_general3A_29 {dimension_numbers = #tpu.dot_dimension_numbers<[0], [0], [1], [1], [0, 1, 1, 1], [], []>, transpose_lhs_hint = false} : vector<10000x128xf32>, vector<10000x1xf32>, vector<128x1xf32> -> vector<128x1xf32>
    %scan3A = arith.constant 0 : i32
    %scan3A_31 = arith.constant 128 : i32
    %scan3A_32 = arith.addi %scan3A, %scan3A_31 : i32
    %scan3A_33 = arith.constant 1 : i32
    scf.for %scan3A_178 = %scan3A to %scan3A_32 step %scan3A_33  : i32 {
      %eq3A_179 = vector.broadcast %scan3A_178 : i32 to vector<10000x1xi32>
      %eq3A_180 = arith.cmpi eq, %get3A_1, %eq3A_179 : vector<10000x1xi32>
      %jit3A_181 = arith.constant -1.000000e+09 : f32
      %broadcast_in_dim3A_182 = vector.shape_cast %eq3A_180 : vector<10000x1xi1> to vector<10000x1xi1>
      %broadcast_in_dim3A_183 = vector.broadcast %broadcast_in_dim3A_182 : vector<10000x1xi1> to vector<10000x128xi1>
      %broadcast_in_dim3A_184 = vector.broadcast %jit3A_181 : f32 to vector<10000x128xf32>
      %select_n3A_185 = arith.select %broadcast_in_dim3A_183, %get3A_11, %broadcast_in_dim3A_184 : vector<10000x128xi1>, vector<10000x128xf32>
      %reduce_max3A_186 = arith.constant dense<0xFF800000> : vector<128xf32>
      %reduce_max3A_187 = vector.multi_reduction <maximumf>, %select_n3A_185, %reduce_max3A_186 [0] : vector<10000x128xf32> to vector<128xf32>
      %swap3A_188 = arith.index_cast %scan3A_178 : i32 to index
      %swap3A_189 = arith.constant 0 : index
      %swap3A_190 = vector.load %arg17[%swap3A_188, %swap3A_189] : memref<128x128xf32, #tpu.memory_space<vmem>>, vector<1x128xf32>
      %swap3A_191 = vector.shape_cast %swap3A_190 : vector<1x128xf32> to vector<128xf32>
      %swap3A_192 = vector.shape_cast %reduce_max3A_187 : vector<128xf32> to vector<1x128xf32>
      tpu.vector_store %arg17[%swap3A_188, %swap3A_189], %swap3A_192 {strides = array<i32>} : memref<128x128xf32, #tpu.memory_space<vmem>>, vector<1x128xf32>,
    }
    %scan3A_34 = arith.constant 128 : i32
    %add3A_35 = arith.constant 1.000000e-10 : f32
    %add3A_36 = vector.broadcast %add3A_35 : f32 to vector<128x1xf32>
    %add3A_37 = arith.addf %dot_general3A_30, %add3A_36 : vector<128x1xf32>
    %div3A = vector.broadcast %add3A_37 : vector<128x1xf32> to vector<128x128xf32>
    %div3A_38 = arith.divf %dot_general3A_28, %div3A : vector<128x128xf32>
    %get3A_39 = arith.constant 0 : index
    %get3A_40 = arith.constant 0 : index
    %get3A_41 = vector.load %arg17[%get3A_39, %get3A_40] : memref<128x128xf32, #tpu.memory_space<vmem>>, vector<128x128xf32>
    %add3A_42 = arith.addf %div3A_38, %get3A_41 : vector<128x128xf32>
    %get3A_43 = arith.constant 0 : index
    %get3A_44 = arith.constant 0 : index
    %get3A_45 = vector.load %arg16[%get3A_43, %get3A_44] : memref<128x16xf32, #tpu.memory_space<vmem>>, vector<128x16xf32>
    %get3A_46 = arith.constant 0 : index
    %get3A_47 = arith.constant 0 : index
    %get3A_48 = vector.load %arg10[%get3A_46, %get3A_47] : memref<128x16xf32, #tpu.memory_space<vmem>>, vector<128x16xf32>
    %dot_general3A_49 = arith.constant dense<0.000000e+00> : vector<128x16xf32>
    %dot_general3A_50 = tpu.matmul %add3A_42, %get3A_48, %dot_general3A_49 {dimension_numbers = #tpu.dot_dimension_numbers<[1], [0], [0], [1], [0, 0, 1, 1], [], []>, transpose_lhs_hint = false} : vector<128x128xf32>, vector<128x16xf32>, vector<128x16xf32> -> vector<128x16xf32>
    %add3A_51 = arith.addf %get3A_45, %dot_general3A_50 : vector<128x16xf32>
    %get3A_52 = arith.constant 0 : index
    %get3A_53 = vector.load %arg11[%get3A_52] : memref<16xf32, #tpu.memory_space<vmem>>, vector<16xf32>
    %broadcast_in_dim3A_54 = vector.shape_cast %get3A_53 : vector<16xf32> to vector<1x16xf32>
    %add3A_55 = vector.broadcast %broadcast_in_dim3A_54 : vector<1x16xf32> to vector<128x16xf32>
    %add3A_56 = arith.addf %add3A_51, %add3A_55 : vector<128x16xf32>
    %swap3A_57 = arith.constant 0 : index
    %swap3A_58 = arith.constant 0 : index
    %swap3A_59 = vector.load %arg16[%swap3A_57, %swap3A_58] : memref<128x16xf32, #tpu.memory_space<vmem>>, vector<128x16xf32>
    tpu.vector_store %arg16[%swap3A_57, %swap3A_58], %add3A_56 {strides = array<i32>} : memref<128x16xf32, #tpu.memory_space<vmem>>, vector<128x16xf32>,
    %get3A_60 = arith.constant 0 : index
    %get3A_61 = arith.constant 0 : index
    %get3A_62 = vector.load %arg1[%get3A_60, %get3A_61] : memref<10000x128xf32, #tpu.memory_space<vmem>>, vector<10000x128xf32>
    %get3A_63 = arith.constant 0 : index
    %get3A_64 = vector.load %arg6[%get3A_63] : memref<128xf32, #tpu.memory_space<vmem>>, vector<128xf32>
    %broadcast_in_dim3A_65 = vector.shape_cast %get3A_64 : vector<128xf32> to vector<128x1xf32>
    %dot_general3A_66 = arith.constant dense<0.000000e+00> : vector<10000x1xf32>
    %dot_general3A_67 = tpu.matmul %get3A_62, %broadcast_in_dim3A_65, %dot_general3A_66 {dimension_numbers = #tpu.dot_dimension_numbers<[1], [0], [0], [1], [0, 0, 1, 1], [], []>, transpose_lhs_hint = false} : vector<10000x128xf32>, vector<128x1xf32>, vector<10000x1xf32> -> vector<10000x1xf32>
    %get3A_68 = arith.constant 0 : index
    %get3A_69 = arith.constant 0 : index
    %get3A_70 = vector.load %arg7[%get3A_68, %get3A_69] : memref<1x1xf32, #tpu.memory_space<vmem>>, vector<1x1xf32>
    %get3A_71 = vector.extract %get3A_70[0, 0] : f32 from vector<1x1xf32>
    %add3A_72 = vector.broadcast %get3A_71 : f32 to vector<10000x1xf32>
    %add3A_73 = arith.addf %dot_general3A_67, %add3A_72 : vector<10000x1xf32>
    %tanh3A = math.tanh %add3A_73 : vector<10000x1xf32>
    %reduce_max3A_74 = vector.shape_cast %tanh3A : vector<10000x1xf32> to vector<1x10000x1xf32>
    %reduce_max3A_75 = arith.constant dense<0xFF800000> : vector<1xf32>
    %reduce_max3A_76 = vector.multi_reduction <maximumf>, %reduce_max3A_74, %reduce_max3A_75 [1, 2] : vector<1x10000x1xf32> to vector<1xf32>
    %reduce_max3A_77 = vector.shape_cast %reduce_max3A_76 : vector<1xf32> to vector<1x1x1xf32>
    %reduce_max3A_78 = vector.extract %reduce_max3A_77[0, 0, 0] : f32 from vector<1x1x1xf32>
    %sub3A_79 = vector.broadcast %reduce_max3A_78 : f32 to vector<10000x1xf32>
    %sub3A_80 = arith.subf %tanh3A, %sub3A_79 : vector<10000x1xf32>
    %exp3A_81 = math.exp %sub3A_80 : vector<10000x1xf32>
    %mul3A_82 = vector.broadcast %exp3A_81 : vector<10000x1xf32> to vector<10000x128xf32>
    %mul3A_83 = arith.mulf %mul3A_82, %get3A_62 : vector<10000x128xf32>
    %dot_general3A_84 = arith.constant dense<0.000000e+00> : vector<128x128xf32>
    %dot_general3A_85 = tpu.matmul %select_n3A, %mul3A_83, %dot_general3A_84 {dimension_numbers = #tpu.dot_dimension_numbers<[0], [0], [1], [1], [0, 1, 1, 1], [], []>, transpose_lhs_hint = false} : vector<10000x128xf32>, vector<10000x128xf32>, vector<128x128xf32> -> vector<128x128xf32>
    %dot_general3A_86 = arith.constant dense<0.000000e+00> : vector<128x1xf32>
    %dot_general3A_87 = tpu.matmul %select_n3A, %exp3A_81, %dot_general3A_86 {dimension_numbers = #tpu.dot_dimension_numbers<[0], [0], [1], [1], [0, 1, 1, 1], [], []>, transpose_lhs_hint = false} : vector<10000x128xf32>, vector<10000x1xf32>, vector<128x1xf32> -> vector<128x1xf32>
    %scan3A_88 = arith.constant 0 : i32
    %scan3A_89 = arith.constant 128 : i32
    %scan3A_90 = arith.addi %scan3A_88, %scan3A_89 : i32
    %scan3A_91 = arith.constant 1 : i32
    scf.for %scan3A_178 = %scan3A_88 to %scan3A_90 step %scan3A_91  : i32 {
      %eq3A_179 = vector.broadcast %scan3A_178 : i32 to vector<10000x1xi32>
      %eq3A_180 = arith.cmpi eq, %get3A_1, %eq3A_179 : vector<10000x1xi32>
      %jit3A_181 = arith.constant -1.000000e+09 : f32
      %broadcast_in_dim3A_182 = vector.shape_cast %eq3A_180 : vector<10000x1xi1> to vector<10000x1xi1>
      %broadcast_in_dim3A_183 = vector.broadcast %broadcast_in_dim3A_182 : vector<10000x1xi1> to vector<10000x128xi1>
      %broadcast_in_dim3A_184 = vector.broadcast %jit3A_181 : f32 to vector<10000x128xf32>
      %select_n3A_185 = arith.select %broadcast_in_dim3A_183, %get3A_62, %broadcast_in_dim3A_184 : vector<10000x128xi1>, vector<10000x128xf32>
      %reduce_max3A_186 = arith.constant dense<0xFF800000> : vector<128xf32>
      %reduce_max3A_187 = vector.multi_reduction <maximumf>, %select_n3A_185, %reduce_max3A_186 [0] : vector<10000x128xf32> to vector<128xf32>
      %swap3A_188 = arith.index_cast %scan3A_178 : i32 to index
      %swap3A_189 = arith.constant 0 : index
      %swap3A_190 = vector.load %arg17[%swap3A_188, %swap3A_189] : memref<128x128xf32, #tpu.memory_space<vmem>>, vector<1x128xf32>
      %swap3A_191 = vector.shape_cast %swap3A_190 : vector<1x128xf32> to vector<128xf32>
      %swap3A_192 = vector.shape_cast %reduce_max3A_187 : vector<128xf32> to vector<1x128xf32>
      tpu.vector_store %arg17[%swap3A_188, %swap3A_189], %swap3A_192 {strides = array<i32>} : memref<128x128xf32, #tpu.memory_space<vmem>>, vector<1x128xf32>,
    }
    %scan3A_92 = arith.constant 128 : i32
    %add3A_93 = arith.constant 1.000000e-10 : f32
    %add3A_94 = vector.broadcast %add3A_93 : f32 to vector<128x1xf32>
    %add3A_95 = arith.addf %dot_general3A_87, %add3A_94 : vector<128x1xf32>
    %div3A_96 = vector.broadcast %add3A_95 : vector<128x1xf32> to vector<128x128xf32>
    %div3A_97 = arith.divf %dot_general3A_85, %div3A_96 : vector<128x128xf32>
    %get3A_98 = arith.constant 0 : index
    %get3A_99 = arith.constant 0 : index
    %get3A_100 = vector.load %arg17[%get3A_98, %get3A_99] : memref<128x128xf32, #tpu.memory_space<vmem>>, vector<128x128xf32>
    %add3A_101 = arith.addf %div3A_97, %get3A_100 : vector<128x128xf32>
    %get3A_102 = arith.constant 0 : index
    %get3A_103 = arith.constant 0 : index
    %get3A_104 = vector.load %arg16[%get3A_102, %get3A_103] : memref<128x16xf32, #tpu.memory_space<vmem>>, vector<128x16xf32>
    %get3A_105 = arith.constant 0 : index
    %get3A_106 = arith.constant 0 : index
    %get3A_107 = vector.load %arg12[%get3A_105, %get3A_106] : memref<128x16xf32, #tpu.memory_space<vmem>>, vector<128x16xf32>
    %dot_general3A_108 = arith.constant dense<0.000000e+00> : vector<128x16xf32>
    %dot_general3A_109 = tpu.matmul %add3A_101, %get3A_107, %dot_general3A_108 {dimension_numbers = #tpu.dot_dimension_numbers<[1], [0], [0], [1], [0, 0, 1, 1], [], []>, transpose_lhs_hint = false} : vector<128x128xf32>, vector<128x16xf32>, vector<128x16xf32> -> vector<128x16xf32>
    %add3A_110 = arith.addf %get3A_104, %dot_general3A_109 : vector<128x16xf32>
    %get3A_111 = arith.constant 0 : index
    %get3A_112 = vector.load %arg13[%get3A_111] : memref<16xf32, #tpu.memory_space<vmem>>, vector<16xf32>
    %broadcast_in_dim3A_113 = vector.shape_cast %get3A_112 : vector<16xf32> to vector<1x16xf32>
    %add3A_114 = vector.broadcast %broadcast_in_dim3A_113 : vector<1x16xf32> to vector<128x16xf32>
    %add3A_115 = arith.addf %add3A_110, %add3A_114 : vector<128x16xf32>
    %swap3A_116 = arith.constant 0 : index
    %swap3A_117 = arith.constant 0 : index
    %swap3A_118 = vector.load %arg16[%swap3A_116, %swap3A_117] : memref<128x16xf32, #tpu.memory_space<vmem>>, vector<128x16xf32>
    tpu.vector_store %arg16[%swap3A_116, %swap3A_117], %add3A_115 {strides = array<i32>} : memref<128x16xf32, #tpu.memory_space<vmem>>, vector<128x16xf32>,
    %get3A_119 = arith.constant 0 : index
    %get3A_120 = arith.constant 0 : index
    %get3A_121 = vector.load %arg2[%get3A_119, %get3A_120] : memref<10000x128xf32, #tpu.memory_space<vmem>>, vector<10000x128xf32>
    %get3A_122 = arith.constant 0 : index
    %get3A_123 = vector.load %arg8[%get3A_122] : memref<128xf32, #tpu.memory_space<vmem>>, vector<128xf32>
    %broadcast_in_dim3A_124 = vector.shape_cast %get3A_123 : vector<128xf32> to vector<128x1xf32>
    %dot_general3A_125 = arith.constant dense<0.000000e+00> : vector<10000x1xf32>
    %dot_general3A_126 = tpu.matmul %get3A_121, %broadcast_in_dim3A_124, %dot_general3A_125 {dimension_numbers = #tpu.dot_dimension_numbers<[1], [0], [0], [1], [0, 0, 1, 1], [], []>, transpose_lhs_hint = false} : vector<10000x128xf32>, vector<128x1xf32>, vector<10000x1xf32> -> vector<10000x1xf32>
    %get3A_127 = arith.constant 0 : index
    %get3A_128 = arith.constant 0 : index
    %get3A_129 = vector.load %arg9[%get3A_127, %get3A_128] : memref<1x1xf32, #tpu.memory_space<vmem>>, vector<1x1xf32>
    %get3A_130 = vector.extract %get3A_129[0, 0] : f32 from vector<1x1xf32>
    %add3A_131 = vector.broadcast %get3A_130 : f32 to vector<10000x1xf32>
    %add3A_132 = arith.addf %dot_general3A_126, %add3A_131 : vector<10000x1xf32>
    %reduce_max3A_133 = vector.shape_cast %add3A_132 : vector<10000x1xf32> to vector<1x10000x1xf32>
    %reduce_max3A_134 = arith.constant dense<0xFF800000> : vector<1xf32>
    %reduce_max3A_135 = vector.multi_reduction <maximumf>, %reduce_max3A_133, %reduce_max3A_134 [1, 2] : vector<1x10000x1xf32> to vector<1xf32>
    %reduce_max3A_136 = vector.shape_cast %reduce_max3A_135 : vector<1xf32> to vector<1x1x1xf32>
    %reduce_max3A_137 = vector.extract %reduce_max3A_136[0, 0, 0] : f32 from vector<1x1x1xf32>
    %sub3A_138 = vector.broadcast %reduce_max3A_137 : f32 to vector<10000x1xf32>
    %sub3A_139 = arith.subf %add3A_132, %sub3A_138 : vector<10000x1xf32>
    %exp3A_140 = math.exp %sub3A_139 : vector<10000x1xf32>
    %mul3A_141 = vector.broadcast %exp3A_140 : vector<10000x1xf32> to vector<10000x128xf32>
    %mul3A_142 = arith.mulf %mul3A_141, %get3A_121 : vector<10000x128xf32>
    %dot_general3A_143 = arith.constant dense<0.000000e+00> : vector<128x128xf32>
    %dot_general3A_144 = tpu.matmul %select_n3A, %mul3A_142, %dot_general3A_143 {dimension_numbers = #tpu.dot_dimension_numbers<[0], [0], [1], [1], [0, 1, 1, 1], [], []>, transpose_lhs_hint = false} : vector<10000x128xf32>, vector<10000x128xf32>, vector<128x128xf32> -> vector<128x128xf32>
    %dot_general3A_145 = arith.constant dense<0.000000e+00> : vector<128x1xf32>
    %dot_general3A_146 = tpu.matmul %select_n3A, %exp3A_140, %dot_general3A_145 {dimension_numbers = #tpu.dot_dimension_numbers<[0], [0], [1], [1], [0, 1, 1, 1], [], []>, transpose_lhs_hint = false} : vector<10000x128xf32>, vector<10000x1xf32>, vector<128x1xf32> -> vector<128x1xf32>
    %scan3A_147 = arith.constant 0 : i32
    %scan3A_148 = arith.constant 128 : i32
    %scan3A_149 = arith.addi %scan3A_147, %scan3A_148 : i32
    %scan3A_150 = arith.constant 1 : i32
    scf.for %scan3A_178 = %scan3A_147 to %scan3A_149 step %scan3A_150  : i32 {
      %eq3A_179 = vector.broadcast %scan3A_178 : i32 to vector<10000x1xi32>
      %eq3A_180 = arith.cmpi eq, %get3A_1, %eq3A_179 : vector<10000x1xi32>
      %jit3A_181 = arith.constant -1.000000e+09 : f32
      %broadcast_in_dim3A_182 = vector.shape_cast %eq3A_180 : vector<10000x1xi1> to vector<10000x1xi1>
      %broadcast_in_dim3A_183 = vector.broadcast %broadcast_in_dim3A_182 : vector<10000x1xi1> to vector<10000x128xi1>
      %broadcast_in_dim3A_184 = vector.broadcast %jit3A_181 : f32 to vector<10000x128xf32>
      %select_n3A_185 = arith.select %broadcast_in_dim3A_183, %get3A_121, %broadcast_in_dim3A_184 : vector<10000x128xi1>, vector<10000x128xf32>
      %reduce_max3A_186 = arith.constant dense<0xFF800000> : vector<128xf32>
      %reduce_max3A_187 = vector.multi_reduction <maximumf>, %select_n3A_185, %reduce_max3A_186 [0] : vector<10000x128xf32> to vector<128xf32>
      %swap3A_188 = arith.index_cast %scan3A_178 : i32 to index
      %swap3A_189 = arith.constant 0 : index
      %swap3A_190 = vector.load %arg17[%swap3A_188, %swap3A_189] : memref<128x128xf32, #tpu.memory_space<vmem>>, vector<1x128xf32>
      %swap3A_191 = vector.shape_cast %swap3A_190 : vector<1x128xf32> to vector<128xf32>
      %swap3A_192 = vector.shape_cast %reduce_max3A_187 : vector<128xf32> to vector<1x128xf32>
      tpu.vector_store %arg17[%swap3A_188, %swap3A_189], %swap3A_192 {strides = array<i32>} : memref<128x128xf32, #tpu.memory_space<vmem>>, vector<1x128xf32>,
    }
    %scan3A_151 = arith.constant 128 : i32
    %add3A_152 = arith.constant 1.000000e-10 : f32
    %add3A_153 = vector.broadcast %add3A_152 : f32 to vector<128x1xf32>
    %add3A_154 = arith.addf %dot_general3A_146, %add3A_153 : vector<128x1xf32>
    %div3A_155 = vector.broadcast %add3A_154 : vector<128x1xf32> to vector<128x128xf32>
    %div3A_156 = arith.divf %dot_general3A_144, %div3A_155 : vector<128x128xf32>
    %get3A_157 = arith.constant 0 : index
    %get3A_158 = arith.constant 0 : index
    %get3A_159 = vector.load %arg17[%get3A_157, %get3A_158] : memref<128x128xf32, #tpu.memory_space<vmem>>, vector<128x128xf32>
    %add3A_160 = arith.addf %div3A_156, %get3A_159 : vector<128x128xf32>
    %get3A_161 = arith.constant 0 : index
    %get3A_162 = arith.constant 0 : index
    %get3A_163 = vector.load %arg16[%get3A_161, %get3A_162] : memref<128x16xf32, #tpu.memory_space<vmem>>, vector<128x16xf32>
    %get3A_164 = arith.constant 0 : index
    %get3A_165 = arith.constant 0 : index
    %get3A_166 = vector.load %arg14[%get3A_164, %get3A_165] : memref<128x16xf32, #tpu.memory_space<vmem>>, vector<128x16xf32>
    %dot_general3A_167 = arith.constant dense<0.000000e+00> : vector<128x16xf32>
    %dot_general3A_168 = tpu.matmul %add3A_160, %get3A_166, %dot_general3A_167 {dimension_numbers = #tpu.dot_dimension_numbers<[1], [0], [0], [1], [0, 0, 1, 1], [], []>, transpose_lhs_hint = false} : vector<128x128xf32>, vector<128x16xf32>, vector<128x16xf32> -> vector<128x16xf32>
    %add3A_169 = arith.addf %get3A_163, %dot_general3A_168 : vector<128x16xf32>
    %get3A_170 = arith.constant 0 : index
    %get3A_171 = vector.load %arg15[%get3A_170] : memref<16xf32, #tpu.memory_space<vmem>>, vector<16xf32>
    %broadcast_in_dim3A_172 = vector.shape_cast %get3A_171 : vector<16xf32> to vector<1x16xf32>
    %add3A_173 = vector.broadcast %broadcast_in_dim3A_172 : vector<1x16xf32> to vector<128x16xf32>
    %add3A_174 = arith.addf %add3A_169, %add3A_173 : vector<128x16xf32>
    %swap3A_175 = arith.constant 0 : index
    %swap3A_176 = arith.constant 0 : index
    %swap3A_177 = vector.load %arg16[%swap3A_175, %swap3A_176] : memref<128x16xf32, #tpu.memory_space<vmem>>, vector<128x16xf32>
    tpu.vector_store %arg16[%swap3A_175, %swap3A_176], %add3A_174 {strides = array<i32>} : memref<128x16xf32, #tpu.memory_space<vmem>>, vector<128x16xf32>,
    return
  }
}

</mosaic_0001>

<sc_bundles>
// kernel: gather_offload_async_start
scs
__scs_entry_jumppad:
0x0: {  	(pc) =	sbr.rel $0x88, $3  }
0x1: {  	(tag) =	ssettag $0x0;
	lr =	simm.s32 $0x1  }
0x2: {  	[smem:$0x3F8C] =	sst lr;
	_ =	strace $0xD0000000  }
0x3: {  	_ = 	snop  }
0x4: {  	_ = 	snop  }
0x5: {  	_ = 	snop  }
0x6: {  	_ = 	snop  }
0x7: {  	_ = 	snop  }
__scs_overlays_trampoline_lowered:
0x8: {  	[smem:$0x3F9B] =	sst s0  }
0x9: {  	[smem:$0x3F9C] =	sst s1  }
0xa: {  	[smem:$0x3F9D] =	sst s2  }
0xb: {  	[smem:$0x3F9E] =	sst s3  }
0xc: {  	[smem:$0x3F9F] =	sst s4  }
0xd: {  	[smem:$0x3FA0] =	sst s5  }
0xe: {  	[smem:$0x3FA1] =	sst s6  }
0xf: {  	[smem:$0x3FA2] =	sst s7  }
0x10: {  	[smem:$0x3FA3] =	sst s8  }
0x11: {  	[smem:$0x3FA4] =	sst s9;
	s0 =	simm.s32 @!p0 $0x0  }
0x12: {  	s1 =	sld [smem:$0x3F8A];
	s0 =	simm.s32 @p0 $0x1  }
0x13: {  	[smem:$0x3FA5] =	sst s0;
	s0 =	simm.s32 @!p1 $0x0  }
0x14: {  	s2 =	sld [smem:$0x3F89];
	s0 =	simm.s32 @p1 $0x1  }
0x15: {  	[smem:$0x3FA6] =	sst s0;
	s0 =	simm.s32 @!p2 $0x0  }
0x16: {  	s3 =	sld [smem:$0x3FDB];
	s0 =	simm.s32 @p2 $0x1  }
0x17: {  	s4 =	simm.s32 $0x1BF5;
	[smem:$0x3FA8] =	sst s0  }
0x18: {  	s0 =	sld [smem:$0x3F8B];
	_ =	swait.ge [sflag:s4], $0x0  }
0x19: {  	s7 =	sld [smem:$0x3F8C]  }
0x1a: {  	s8 =	sadd.s32 $0xFFFFE003, lr  }
0x1b: {  	s9 =	sadd.s32 $0xFFFFFEF7, lr;
	s5 =	simm.s32 $0xFFFFFFFF;
	p2 =	slt.u32 s8, $0xFFFFF086  }
0x1c: {  	p1 =	slt.u32 s9, $0xF7A;
	s5 =	simm.s32 @!p2 $0x0  }
0x1d: {  	s5 =	simm.s32 @p1 $0x1;
	p0 =	seq.s32 s7, s2  }
0x1e: {  	s7 =	smul.u32 @!p0 $0xF7A, s2;
	p2 =	seq.s32 @!p0 s5, $0x0  }
0x1f: {  	s9 =	smul.u32 $0xF7A, s1;
	s8 =	simm.s32 @!p0 $0x1BF5;
	p2 =	por !p2, p0  }
0x20: {  	[sflag:s8] =	ssyncset.s32 @!p0 $0xFFFFF086;
	s6 =	sadd.s32 @!p0 s3, s7;
	s7 =	simm.s32 @!p0 $0x108  }
0x21: {  	s3 =	sadd.s32 s3, s9;
	s6 =	sadd.s32 @!p0 $0x88, s6;
	s7 =	simm.s32 @p2 $0x1082  }
0x22: {  	[simem:s7], [sflag:s8] =	dma.local @!p0 [hbm:s6], $0xF7A  }
0x23: {  	s9 =	sor.u32 $0xD0000000, s2;
	s6 =	simm.s32 $0x108;
	_ =	swait.ge @!p0 [sflag:s8], $0x0  }
0x24: {  	s3 =	sadd.s32 $0x88, s3;
	s6 =	simm.s32 @!p1 $0x1082;
	[sflag:s4] =	ssyncset.s32 $0xFFFFF086  }
0x25: {  	[simem:s6], [sflag:s4] =	dma.local [hbm:s3], $0xF7A  }
0x26: {  	[smem:$0x3F8C] =	sst s1;
	(tag) =	ssettag s2;
	_ =	strace s9  }
0x27: {  	s1 =	sld [smem:$0x3F9C]  }
0x28: {  	s2 =	sld [smem:$0x3F9D]  }
0x29: {  	s4 =	sld [smem:$0x3F9F]  }
0x2a: {  	p0 =	seq.s32 s5, $0x0;
	s5 =	sld [smem:$0x3FA0]  }
0x2b: {  	s6 =	sld [smem:$0x3FA1]  }
0x2c: {  	s7 =	sld [smem:$0x3FA2]  }
0x2d: {  	s3 =	simm.s32 $0x108;
	s8 =	sld [smem:$0x3FA3]  }
0x2e: {  	s3 =	simm.s32 @!p0 $0x1082;
	s9 =	sld [smem:$0x3FA4]  }
0x2f: {  	lr =	sadd.s32 s0, s3;
	s0 =	sld [smem:$0x3F9B]  }
0x30: {  	s3 =	sld [smem:$0x3F9E]  }
0x31: {  	[smem:$0x3FA7] =	sst s10  }
0x32: {  	s10 =	sld [smem:$0x3FA5];
	_ =	sdelay $0x3  }
0x33: {  	p0 =	seq.s32 s10, $0x1;
	s10 =	sld [smem:$0x3FA7];
	_ =	sdelay $0x3  }
0x34: {  	[smem:$0x3FA7] =	sst s10  }
0x35: {  	s10 =	sld [smem:$0x3FA6];
	_ =	sdelay $0x3  }
0x36: {  	p1 =	seq.s32 s10, $0x1;
	s10 =	sld [smem:$0x3FA7];
	_ =	sdelay $0x3  }
0x37: {  	[smem:$0x3FA7] =	sst s10  }
0x38: {  	s10 =	sld [smem:$0x3FA8]  }
0x39: {  	_ = 	snop;
	(pc) =	sbr.ind lr, $3  }
0x3a: {  	_ = 	snop  }
0x3b: {  	_ = 	snop  }
0x3c: {  	p2 =	seq.s32 s10, $0x1;
	s10 =	sld [smem:$0x3FA7]  }
0x3d: {  	_ =	shalt  }
0x3e: {  	_ =	shalt  }
0x3f: {  	_ =	shalt  }
0x40: {  	_ =	shalt  }
0x41: {  	_ =	shalt  }
0x42: {  	_ =	shalt  }
0x43: {  	_ =	shalt  }
0x44: {  	_ =	shalt  }
0x45: {  	_ =	shalt  }
0x46: {  	_ =	shalt  }
0x47: {  	_ =	shalt  }
0x48: {  	_ =	shalt  }
0x49: {  	_ =	shalt  }
0x4a: {  	_ =	shalt  }
0x4b: {  	_ =	shalt  }
0x4c: {  	_ =	shalt  }
0x4d: {  	_ =	shalt  }
0x4e: {  	_ =	shalt  }
0x4f: {  	_ =	shalt  }
0x50: {  	_ =	shalt  }
0x51: {  	_ =	shalt  }
0x52: {  	_ =	shalt  }
0x53: {  	_ =	shalt  }
0x54: {  	_ =	shalt  }
0x55: {  	_ =	shalt  }
0x56: {  	_ =	shalt  }
0x57: {  	_ =	shalt  }
0x58: {  	_ =	shalt  }
0x59: {  	_ =	shalt  }
0x5a: {  	_ =	shalt  }
0x5b: {  	_ =	shalt  }
0x5c: {  	_ =	shalt  }
0x5d: {  	_ =	shalt  }
0x5e: {  	_ =	shalt  }
0x5f: {  	_ =	shalt  }
0x60: {  	_ =	shalt  }
0x61: {  	_ =	shalt  }
0x62: {  	_ =	shalt  }
0x63: {  	_ =	shalt  }
0x64: {  	_ =	shalt  }
0x65: {  	_ =	shalt  }
0x66: {  	_ =	shalt  }
0x67: {  	_ =	shalt  }
0x68: {  	_ =	shalt  }
0x69: {  	_ =	shalt  }
0x6a: {  	_ =	shalt  }
0x6b: {  	_ =	shalt  }
0x6c: {  	_ =	shalt  }
0x6d: {  	_ =	shalt  }
0x6e: {  	_ =	shalt  }
0x6f: {  	_ =	shalt  }
0x70: {  	_ =	shalt  }
0x71: {  	_ =	shalt  }
0x72: {  	_ =	shalt  }
0x73: {  	_ =	shalt  }
0x74: {  	_ =	shalt  }
0x75: {  	_ =	shalt  }
0x76: {  	_ =	shalt  }
0x77: {  	_ =	shalt  }
0x78: {  	_ =	shalt  }
0x79: {  	_ =	shalt  }
0x7a: {  	_ =	shalt  }
0x7b: {  	_ =	shalt  }
0x7c: {  	_ =	shalt  }
0x7d: {  	_ =	shalt  }
0x7e: {  	_ =	shalt  }
0x7f: {  	_ =	shalt  }
0x80: {  	_ =	shalt  }
0x81: {  	_ =	shalt  }
0x82: {  	_ =	shalt  }
0x83: {  	_ =	shalt  }
0x84: {  	_ =	shalt  }
0x85: {  	_ =	shalt  }
0x86: {  	_ =	shalt  }
0x87: {  	_ =	shalt  }
.Lfunc_end0:
.L_simem_size_0:
called_computation_lowered:
.L_overlay_start_0:
0x88: {  	s0 =	sld [smem:$0x3FD9]  }
0x89: {  	s1 =	sld [smem:$0x3FFE];
	_ =	sdelay $0x3  }
0x8a: {  	s0 =	sadd.s32 s1, s0  }
0x8b: {  	[smem:$0x3FB3] =	sst s0  }
0x8c: {  	_ = 	snop  }
0x8d: {  	s0 =	sld [smem:$0x3FC5];
	(tm) =	ssettm $0x1  }
0x8e: {  	s16 =	sld [smem:$0x3FFB];
	_ =	sdelay $0x3  }
0x8f: {  	_ =	strace s16  }
0x90: {  	s1 =	sld [smem:$0x3FFC];
	_ =	sdelay $0x3  }
0x91: {  	_ =	strace s1  }
0x92: {  	s1 =	sld [smem:$0x3FFD];
	_ =	sdelay $0x3  }
0x93: {  	_ =	strace s1  }
0x94: {  	_ =	strace $0x8FFFFFFF  }
0x95: {  	s17 =	sld [smem:$0x3FDB];
	_ =	sdelay $0x1  }
0x96: {  	s2 =	simm.s32 $_scs_section_size  }
0x97: {  	s3 =	simm.s32 $_size__tile_overlayer_lowered;
	s4 =	simm.s32 $_tile_overlayer_lowered  }
0x98: {  	s20 =	simm.s32 $0x1BFF;
	s19 =	sshll.u32 s4, $0x1;
	s1 =	sadd.s32 s2, s17  }
0x99: {  	s5 =	simm.s32 $0x0;
	s18 =	sshll.u32 s3, $0x1;
	s3 =	sadd.s32 s19, s1  }
0x9a: {  	[timem:s5], [sflag:s20] =	dma.local [hbm:s3], s18  }
0x9b: {  	_ =	swait.ge [sflag:s20], s18  }
0x9c: {  	s2 =	ssub.s32 $0x0, s18;
	[sflag:s20] =	ssyncset.done $0x0  }
0x9d: {  	[sflag:s20] =	ssyncadd.s32 s2;
	_ =	sdelay $0x1  }
0x9e: {  	s21 =	simm.s32 $0x1B8B  }
0x9f: {  	_ =	swait.ge [sflag:s21], $0x1  }
0xa0: {  	[sflag:s21] =	ssyncset.done $0x0  }
0xa1: {  	s23 =	simm.s32 $0x1B8E;
	s22 =	sld [smem:$0x3FFE];
	[sflag:s21] =	ssyncadd.s32 $0xFFFFFFFF  }
0xa2: {  	s24 =	simm.s32 $execute0_lowered;
	[smem:$0x3FD2] =	sst s23  }
0xa3: {  	s3 =	sshll.u32 s24, $0x1;
	_ =	strace $0x80000046;
	[dreg:$0x1] =	wrdreg $0xFFFFFFFF  }
0xa4: {  	s25 =	simm.s32 $_size_execute0_lowered;
	s1 =	sadd.s32 s1, s3;
	[dreg:$0x0] =	wrdreg $0x0  }
0xa5: {  	s3 =	sshll.u32 s25, $0x1;
	[dreg:$0x2] =	wrdreg s1  }
0xa6: {  	[dreg:$0x3] =	wrdreg s3  }
0xa7: {  	[dreg:$0x4] =	wrdreg $0xC0  }
0xa8: {  	_ =	task [dreg:s5], $0x5FFFF  }
0xa9: {  	[dreg:$0x1] =	wrdreg $0xFFFFFFFF  }
0xaa: {  	[dreg:$0x0] =	wrdreg $0x60  }
0xab: {  	[dreg:$0x2] =	wrdreg s0  }
0xac: {  	[dreg:$0x3] =	wrdreg s22  }
0xad: {  	[dreg:$0x4] =	wrdreg $0x9  }
0xae: {  	_ =	task.clear_ibuf [dreg:s5], $0x5FFFF;
	_ =	strace $0x90000046  }
0xaf: {  	s26 =	simm.s32 $0x9;
	_ =	strace $0x80000048  }
0xb0: {  	_ =	swait.ge [sflag:s26], $0x1  }
0xb1: {  	[sflag:s26] =	ssyncadd.s32 $0xFFFFFFFF  }
0xb2: {  	_ =	strace $0x90000048  }
0xb3: {  	_ =	sfence  }
0xb4: {  	s28 =	sld [smem:$0x0];
	_ =	sdelay $0x1  }
0xb5: {  	s29 =	srdreg.scid  }
0xb6: {  	s30 =	sshll.u32 s29, $0xD;
	s31 =	sshrl.u32 s29, $0x2  }
0xb7: {  	s2 =	sand.u32 $0x4000, s30;
	s1 =	sand.u32 $0x1, s29;
	s0 =	sadd.s32 s31, s28  }
0xb8: {  	s1 =	sor.u32 s2, s1;
	s0 =	sshll.u32 s0, $0x11  }
0xb9: {  	s0 =	sor.u32 s0, s1  }
0xba: {  	s0 =	sadd.s32 $0x8F2B, s0  }
0xbb: {  	[sflag:s0] =	ssyncadd.remote.s32 $0x1  }
0xbc: {  	_ =	sfence.sel $0xFFFF  }
0xbd: {  	[dreg:$0x0] =	wrdreg $0xFFFFFFFF;
	(pc) =	sbr.abs _section_cstart, $3  }
0xbe: {  	[dreg:$0x1] =	wrdreg $0xFFFFFFFF  }
0xbf: {  	_ =	task.clear_ibuf [dreg:s5], $0x2FFFF;
	_ =	strace $0x9FFFFFFF  }
0xc0: {  	(tm) =	ssettm $0x7FFFFFFF  }
0xc1: {  	_ =	shalt  }
tec
execute0_lowered:
.L_overlay_start_1:
0x0: {  	(tag) =	ssettag $0x1  }
0x1: {  	s0 =	stileid.u32  }
0x2: {  	s1 =	smin.u32 s0, $0x9  }
0x3: {  	s1 =	sadd.s32 s0, s1  }
0x4: {  	s2 =	simm.s32 $0x320;
	p0 =	slt.u32 s0, $0x9;
	s1 =	smul.u32 $0x190, s1  }
0x5: {  	s2 =	simm.s32 @!p0 $0x190  }
0x6: {  	s2 =	sadd.s32 s2, s1  }
0x7: {  	s3 =	smin.u32 s2, $0x2710  }
0x8: {  	s7 =	ssub.s32 s3, s1  }
0x9: {  	p0 =	sgt.s32 s7, $0x0  }
0xa: {  	s7 =	simm.s32 @!p0 $0x0  }
0xb: {  	s31 =	sand.u32 $0xFFF0, s7  }
0xc: {  	s2 =	sshrl.u32 s31, $0x4  }
0xd: {  	s4 =	rddreg [dreg:$0x0];
	s2 =	smul.u32 $0xA3E, s2  }
0xe: {  	s9 =	rddreg [dreg:$0x1];
	s6 =	simm.s32 $0x1  }
0xf: {  	s11 =	simm.s32 $0x3;
	s13 =	simm.s32 $0x0;
	s8 =	sshrl.u32 s2, $0x10  }
0x10: {  	s12 =	simm.s32 $0x0;
	s5 =	sadd.s32 $0x3C00, s9;
	s10 =	smul.u32 $0x190, s8  }
.Ltmp0:
0x11: {  	s9 =	sadd.s32 $0x4200, s9;
	s2 =	rddreg [dreg:$0x2];
	(pc) =	sbr.rel .LBB2_1-.Ltmp0, $4  }
0x12: {  	_ =	strace $0x80000047;
	p0 =	sne.s32 s7, s10;
	s10 =	simm.s32 $0x1  }
0x13: {  	[sflag:s6] =	ssyncpa.u1 $0x0;
	s7 =	simm.s32 $0x2;
	s10 =	simm.s32 @!p0 $0x0  }
0x14: {  	[sflag:s7] =	ssyncpa.u1 $0x0;
	p0 =	por $0x0, $0x0;
	s8 =	sadd.s32 s8, s10  }
0x15: {  	vm0 =	vmmov $0xff;
	vm1 =	vcmask $0x3F20;
	[sflag:s11] =	ssyncpa.u1 $0x0;
	s11 =	smov.u32 s1;
	s10 =	sadd.s32 $0x1, s8  }
.LBB2_6:
0x16: {  	[hbm:s17] =	stream.linear.scatter [tilespmem:s14], [sflag:$0x3], $0x400, $0x38;
	[tilespmem:$0x19320] =	vst v63  }
.LBB2_7:
0x17: {  	s13 =	sadd.s32 $0x190, s11  }
0x18: {  	s15 =	smov.u32 s1;
	p2 =	slt.s32 s13, s3  }
0x19: {  	s15 =	smov.u32 @p2 s13;
	p2 =	sne.s32 s12, s10  }
.Ltmp1:
0x1a: {  	p1 =	slt.u32 s12, $0x2;
	(pc) =	sbr.rel @!p2 .LBB2_8-.Ltmp1, $4  }
0x1b: {  	s14 =	simm.s32 @!p1 $0x3  }
0x1c: {  	s16 =	sadd.s32 $0x1, s12;
	_ =	swait.ge @!p1 [sflag:s14], $0xC800  }
0x1d: {  	p0 =	por !p0, !p0;
	s13 =	smov.u32 s11;
	[sflag:s14] =	ssyncset.done @!p1 $0x0  }
0x1e: {  	s12 =	smov.u32 s16;
	s11 =	smov.u32 s15;
	[sflag:s14] =	ssyncadd.s32 @!p1 $0xFFFF3800  }
.LBB2_1:
0x1f: {  	p1 =	sge.u32 s12, s8  }
0x20: {  	s14 =	sxor.u32 @!p1 $0xFFFFFFFF, s12  }
0x21: {  	s14 =	sand.u32 @!p1 $0x1, s14  }
0x22: {  	s14 =	smul.u32 @!p1 $0x640, s14  }
0x23: {  	s31 =	sadd.s32 $0xFFFFFFFF, s12;
	s15 =	sshrl.u32 @!p1 s11, $0x3  }
0x24: {  	s16 =	sand.u32 @!p1 $0x7, s11;
	s15 =	sadd.s32 @!p1 s5, s15;
	s14 =	sshrl.u32 @!p1 s14, $0x2  }
0x25: {  	[tilespmem:s14], [sflag:$0x2] =	stream.linear.gather @!p1 [hbm4b:s15+s16], $0x190, $0x38;
	[tilespmem:$0x19320] =	vst v63  }
0x26: {  	p1 =	sge.u32 s31, s8  }
.Ltmp2:
0x27: {  	_ = 	snop;
	(pc) =	sbr.rel @p1 .LBB2_7-.Ltmp2, $1  }
0x28: {  	_ =	sdelay $0x3  }
0x29: {  	s14 =	simm.s32 $0x1  }
0x2a: {  	s14 =	simm.s32 @!p0 $0x0  }
0x2b: {  	s15 =	smul.u32 $0x640, s14  }
0x2c: {  	_ =	swait.ge [sflag:s7], $0x190  }
0x2d: {  	[sflag:s7] =	ssyncset.done $0x0;
	s16 =	sshrl.u32 s15, $0x2  }
0x2e: {  	[sflag:s7] =	ssyncadd.s32 $0xFFFFFE70;
	s15 =	sadd.s32 $0x0, s16  }
0x2f: {  	v0 =	vld.msk [tilespmem:s15+$0x0 ss:$0x1], $0xffff;
	_ =	sdelay $0x4  }
0x30: {  	vm2 =	vgt.s32 v0, $0x0  }
0x31: {  	v0 =	vnsel vm2, $0x0, v0  }
0x32: {  	v0 =	vmin.u32 v0, $0x752F  }
0x33: {  	v0 =	vshll.u32 v0, $0x4  }
0x34: {  	s14 =	smul.u32 $0x32000, s14;
	_ =	sdelay $0x1  }
0x35: {  	s14 =	sshrl.u32 s14, $0x2  }
0x36: {  	s14 =	sor.u32 $0x320, s14  }
0x37: {  	[tilespmem:s14], [sflag:$0x1] =	stream.indirect_vreg.gather [hbm:s4], $0x80, v0, vm0, $0x38;
	[tilespmem:$0x19320] =	vst v63  }
0x38: {  	s17 =	sadd.s32 $0x10, s16;
	s15 =	sadd.s32 $0x400, s14  }
0x39: {  	[tilespmem:s15], [sflag:$0x1] =	stream.indirect_vreg.gather [hbm:s4], $0x80, v0, vm1, $0x38;
	[tilespmem:$0x19320] =	vst v63  }
0x3a: {  	s18 =	simm.s32 $0x80;
	v0 =	vld.msk [tilespmem:s17+$0x0 ss:$0x1], $0xffff;
	s17 =	smov.u32 s14  }
.LBB2_3:
0x3b: {  	p1 =	sne.s32 s18, $0x600;
	_ =	sdelay $0x4  }
0x3c: {  	vm2 =	vgt.s32 v0, $0x0  }
0x3d: {  	v0 =	vnsel vm2, $0x0, v0  }
0x3e: {  	v0 =	vmin.u32 v0, $0x752F  }
0x3f: {  	v0 =	vshll.u32 v0, $0x4;
	_ =	sdelay $0x3  }
.Ltmp3:
0x40: {  	s19 =	sshra.s32 s18, $0x2;
	s17 =	sadd.s32 $0x800, s17;
	(pc) =	sbr.rel @p1 .LBB2_3-.Ltmp3, $4  }
0x41: {  	[tilespmem:s17], [sflag:$0x1] =	stream.indirect_vreg.gather [hbm:s4], $0x80, v0, vm0, $0x38;
	[tilespmem:$0x19320] =	vst v63  }
0x42: {  	s19 =	sadd.s32 s19, s16;
	s20 =	sadd.s32 $0x400, s17  }
0x43: {  	[tilespmem:s20], [sflag:$0x1] =	stream.indirect_vreg.gather [hbm:s4], $0x80, v0, vm1, $0x38;
	[tilespmem:$0x19320] =	vst v63  }
0x44: {  	s18 =	sadd.s32 $0x40, s18;
	v0 =	vld.msk [tilespmem:s19+$0x0 ss:$0x1], $0xffff  }
0x45: {  	_ =	sdelay $0x3  }
0x46: {  	vm2 =	vgt.s32 v0, $0x0  }
0x47: {  	v0 =	vnsel vm2, $0x0, v0  }
0x48: {  	v0 =	vmin.u32 v0, $0x752F  }
0x49: {  	v0 =	vshll.u32 v0, $0x4;
	_ =	sdelay $0x3  }
0x4a: {  	s16 =	sadd.s32 $0x800, s17  }
0x4b: {  	[tilespmem:s16], [sflag:$0x1] =	stream.indirect_vreg.gather [hbm:s4], $0x80, v0, vm0, $0x38;
	[tilespmem:$0x19320] =	vst v63  }
0x4c: {  	s16 =	sadd.s32 $0x400, s16  }
0x4d: {  	[tilespmem:s16], [sflag:$0x1] =	stream.indirect_vreg.gather [hbm:s4], $0x80, v0, vm1, $0x38;
	[tilespmem:$0x19320] =	vst v63  }
0x4e: {  	s13 =	sshll.u32 s13, $0x4;
	_ =	swait.ge [sflag:s6], $0xC800  }
0x4f: {  	s13 =	sadd.s32 s13, s9;
	[sflag:s6] =	ssyncset.done $0x0  }
0x50: {  	s17 =	sadd.s32 $0x0, s13;
	s16 =	simm.s32 $0x80;
	[sflag:s6] =	ssyncadd.s32 $0xFFFF3800  }
.LBB2_5:
0x51: {  	[hbm:s17] =	stream.linear.scatter [tilespmem:s14], [sflag:$0x3], $0x400, $0x38;
	[tilespmem:$0x19320] =	vst v63  }
0x52: {  	s17 =	smov.u32 s16;
	s14 =	smov.u32 s15;
	p1 =	sne.s32 s16, $0x1880  }
.Ltmp4:
0x53: {  	s16 =	sadd.s32 $0x80, s16;
	(pc) =	sbr.rel @p1 .LBB2_5-.Ltmp4, $2  }
0x54: {  	_ =	sdelay $0x2  }
0x55: {  	s15 =	sadd.s32 $0x400, s15;
	s17 =	sadd.s32 s17, s13  }
.Ltmp5:
0x56: {  	_ = 	snop;
	(pc) =	sbr.rel .LBB2_6-.Ltmp5, $1  }
0x57: {  	_ =	sdelay $0x3  }
.LBB2_8:
0x58: {  	_ =	sfence.sel $0x180000  }
0x59: {  	s1 =	simm.s32 $0x2;
	[bflag:$0x0] =	sbarrier.arrive $0xFFFF  }
0x5a: {  	s30 =	simm.s32 $0x3;
	[sflag:s1] =	ssyncpa.u1 $0x1  }
0x5b: {  	s31 =	simm.s32 $0x1;
	[sflag:s30] =	ssyncpa.u1 $0x1  }
0x5c: {  	[sflag:s31] =	ssyncpa.u1 $0x1  }
0x5d: {  	p0 =	sne.s32 s0, $0x0;
	_ =	strace $0x90000047  }
0x5e: {  	s0 =	sadd.s32 @!p0 $0x100000, s2;
	[bflag:$0x2] =	sbarrier.arrive $0xFFFF  }
0x5f: {  	[sflag:s0] =	ssyncadd.tile.s32 @!p0 $0x1;
	_ =	shalt  }
.Lfunc_end2:
_tile_overlayer_lowered:
.L_overlay_start_2:
0x60: {  	(tag) =	ssettag $0x2  }
0x61: {  	s0 =	rddreg [dreg:$0x0];
	s2 =	stileid.u32  }
0x62: {  	s1 =	rddreg [dreg:$0x1];
	p0 =	sne.s32 s2, $0x0  }
0x63: {  	s3 =	rddreg [dreg:$0x2];
	[bflag:$0x3] =	sbarrier.arrive $0xFFFF;
	s2 =	simm.s32 @!p0 $0x1C01  }
0x64: {  	[timem:s3], [sflag:s2] =	dma.local @!p0 [hbm:s0], s1  }
0x65: {  	s0 =	simm.s32 @!p0 $0x1  }
0x66: {  	_ =	swait.ge @!p0 [sflag:s0], s1  }
0x67: {  	s1 =	ssub.s32 @!p0 $0x0, s1;
	[sflag:s0] =	ssyncset.done @!p0 $0x0  }
0x68: {  	[sflag:s0] =	ssyncadd.s32 @!p0 s1  }
0x69: {  	[bflag:$0x3] =	sbarrier.arrive $0xFFFF  }
0x6a: {  	_ =	shalt  }

</sc_bundles>
